<compile_context>
chip_gen: v7x
topology: tpu7x:2x2x1
jax: 0.10.2.dev20260603
libtpu: 0.0.44.dev20260713+nightly
codegen_flags: <defaults>
</compile_context>

<pallas_src>
import functools

import jax
import jax.numpy as jnp
from jax import lax
from jax.experimental import pallas as pl
from jax.experimental.pallas import tpu as pltpu
from jax.experimental.pallas import tpu_sc as plsc

B = 16384
NS = 16
L = 16
CHUNK = B // NS
STEPS = CHUNK // L

_mesh = plsc.VectorSubcoreMesh(
    core_axis_name="c", subcore_axis_name="s", num_cores=1
)


@functools.partial(
    pl.kernel,
    mesh=_mesh,
    out_type=jax.ShapeDtypeStruct((L,), jnp.float32),
    scratch_types=[
        pltpu.VMEM((CHUNK,), jnp.float32),
        pltpu.VMEM((CHUNK,), jnp.int32),
        pltpu.VMEM((CHUNK,), jnp.int32),
        pltpu.VMEM((128,), jnp.float32),
        pltpu.VMEM((NS, 128), jnp.float32),
        pltpu.VMEM_SHARED((NS, 128), jnp.float32),
        pltpu.SemaphoreType.DMA,
        pltpu.SemaphoreType.DMA,
        pltpu.SemaphoreType.DMA,
    ],
)
def _diff_eodd_sc(yp_hbm, s_hbm, y_hbm, out_hbm,
                  yp_v, s_v, y_v, acc_v, all_v, shared,
                  sem0, sem1, sem2):
    wid = lax.axis_index("s")
    base = wid * CHUNK

    c0 = pltpu.async_copy(yp_hbm.at[pl.ds(base, CHUNK)], yp_v, sem0)
    c1 = pltpu.async_copy(s_hbm.at[pl.ds(base, CHUNK)], s_v, sem1)
    c2 = pltpu.async_copy(y_hbm.at[pl.ds(base, CHUNK)], y_v, sem2)
    c0.wait()
    c1.wait()
    c2.wait()

    lane = lax.iota(jnp.int32, L)
    _dnums = lax.GatherDimensionNumbers(
        offset_dims=(), collapsed_slice_dims=(0,), start_index_map=(0,))

    def lane_take(v, idx):
        return lax.gather(v, idx[:, None], _dnums, slice_sizes=(1,),
                          mode=lax.GatherScatterMode.PROMISE_IN_BOUNDS)

    def lane_sum(v):
        for sh in (8, 4, 2, 1):
            v = v + lane_take(v, lane ^ sh)
        return v

    def body(j, carry):
        A, By, Cs, D, Ny, Ns, Nys = carry
        yp = yp_v[pl.ds(j * L, L)]
        sf = s_v[pl.ds(j * L, L)].astype(jnp.float32)
        yf = y_v[pl.ds(j * L, L)].astype(jnp.float32)
        t = yf * sf
        return (A + yp, By + yp * yf, Cs + yp * sf, D + yp * t,
                Ny + yf, Ns + sf, Nys + t)

    init = (jnp.zeros((L,), jnp.float32),) * 7
    accs = lax.fori_loop(0, STEPS, body, init)

    for k in range(7):
        acc_v[pl.ds(k * L, L)] = accs[k]
    pltpu.sync_copy(acc_v, shared.at[wid])
    plsc.subcore_barrier()

    @pl.when(wid == 0)
    def _():
        pltpu.sync_copy(shared, all_v)

        def comb(w, carry):
            return tuple(carry[k] + all_v[w, pl.ds(k * L, L)]
                         for k in range(7))

        tot = lax.fori_loop(0, NS, comb, init)
        A, By, Cs, D, Ny, Ns, Nys = [lane_sum(t) for t in tot]
        n_f = jnp.full((L,), float(B), jnp.float32)
        s11, c11 = D, Nys
        s10, c10 = By - D, Ny - Nys
        s01, c01 = Cs - D, Ns - Nys
        s00, c00 = A - By - Cs + D, n_f - Ny - Ns + Nys
        res = jnp.abs(s10 / c10 - s11 / c11) + jnp.abs(s00 / c00 - s01 / c01)
        acc_v[pl.ds(0, L)] = res
        pltpu.sync_copy(acc_v.at[pl.ds(0, L)], out_hbm)


def kernel(y_pred, s, y_gt):
    out = _diff_eodd_sc(y_pred[:, 1], s.reshape(-1), y_gt.reshape(-1))
    return out[0]

# --- scband reference (transcript-rebuilt; emitter-appended) ---
"""Pipeline reference for scband-diff-eodd-14439680049194 (READ-ONLY COPY).

The authoritative reference and input builder live on the scoring server;
editing this copy changes nothing except your own understanding.
"""

import jax, jax.numpy as jnp
import numpy as np

B = 16384

def setup_inputs(seed: int = 0) -> dict:
    key = jax.random.key(seed)
    k1, k2, k3 = jax.random.split(key, 3)
    y_pred = jax.random.normal(k1, (B, 2), dtype=jnp.float32)
    s = jax.random.randint(k2, (B,), 0, 2, dtype=jnp.int32)
    y_gt = jax.random.randint(k3, (B,), 0, 2, dtype=jnp.int32)
    return {"y_pred": y_pred, "s": s, "y_gt": y_gt}

def reference(y_pred, s, y_gt):
    # num_classes == 2 path: take positive-class score
    yp = y_pred[:, 1].reshape(-1)
    s = s.reshape(-1)
    y_gt = y_gt.reshape(-1)

    def masked_mean(mask):
        m = mask.astype(yp.dtype)
        return jnp.sum(yp * m) / jnp.sum(m)

    # y_gt == 1 group, split by sensitive attribute s
    m_y1_s0 = (y_gt == 1) & (s == 0)
    m_y1_s1 = (y_gt == 1) & (s == 1)
    reg_loss_y1 = jnp.abs(masked_mean(m_y1_s0) - masked_mean(m_y1_s1))

    # y_gt == 0 group, split by sensitive attribute s
    m_y0_s0 = (y_gt == 0) & (s == 0)
    m_y0_s1 = (y_gt == 0) & (s == 1)
    reg_loss_y0 = jnp.abs(masked_mean(m_y0_s0) - masked_mean(m_y0_s1))

    return reg_loss_y1 + reg_loss_y0

if __name__ == "__main__":
    import jax
    _d = setup_inputs()
    print(jax.jit(kernel)(*tuple(_d.values())))

</pallas_src>

<mosaic_0001>
#map = affine_map<(d0, d1) -> (0)>
module attributes {stable_mosaic.version = 14 : i64} {
  func.func @_diff_eodd_sc(%arg0: i32, %arg1: i32, %arg2: memref<16384xf32, #tpu.memory_space<hbm>>, %arg3: memref<16384xi32, #tpu.memory_space<hbm>>, %arg4: memref<16384xi32, #tpu.memory_space<hbm>>, %arg5: memref<16xf32, #tpu.memory_space<hbm>>, %arg6: memref<1024xf32, #tpu.memory_space<vmem>>, %arg7: memref<1024xi32, #tpu.memory_space<vmem>>, %arg8: memref<1024xi32, #tpu.memory_space<vmem>>, %arg9: memref<128xf32, #tpu.memory_space<vmem>>, %arg10: memref<16x128xf32, #tpu.memory_space<vmem>>, %arg11: memref<16x128xf32, #tpu.memory_space<vmem_shared>>, %arg12: memref<!tpu.dma_semaphore, #tpu.memory_space<semaphore_mem>>, %arg13: memref<!tpu.dma_semaphore, #tpu.memory_space<semaphore_mem>>, %arg14: memref<!tpu.dma_semaphore, #tpu.memory_space<semaphore_mem>>) attributes {dimension_semantics = [#tpu.dimension_semantics<core_parallel>, #tpu.dimension_semantics<subcore_parallel>], iteration_bounds = array<i64: 1, 16>, scalar_prefetch = 0 : i64, scratch_operands = 9 : i64, tpu.core_type = #tpu.core_type<sc_vector_subcore>, window_params = [{transform_indices = #map}, {transform_indices = #map}, {transform_indices = #map}, {transform_indices = #map}]} {
    %mul3A = arith.constant 1024 : i32
    %mul3A_0 = arith.muli %arg1, %mul3A : i32
    %dma_start3A = tpu.memref_slice %arg2[%mul3A_0] : memref<16384xf32, #tpu.memory_space<hbm>> -> memref<1024xf32, #tpu.memory_space<hbm>>
    %dma_start3A_1 = tpu.memref_slice %arg2[%mul3A_0] : memref<16384xf32, #tpu.memory_space<hbm>> -> memref<1024xf32, #tpu.memory_space<hbm>>
    tpu.enqueue_dma source(%dma_start3A_1 : memref<1024xf32, #tpu.memory_space<hbm>>) target(%arg6 : memref<1024xf32, #tpu.memory_space<vmem>>) target_semaphore(%arg12 : memref<!tpu.dma_semaphore, #tpu.memory_space<semaphore_mem>>)
    %dma_start3A_2 = tpu.memref_slice %arg3[%mul3A_0] : memref<16384xi32, #tpu.memory_space<hbm>> -> memref<1024xi32, #tpu.memory_space<hbm>>
    %dma_start3A_3 = tpu.memref_slice %arg3[%mul3A_0] : memref<16384xi32, #tpu.memory_space<hbm>> -> memref<1024xi32, #tpu.memory_space<hbm>>
    tpu.enqueue_dma source(%dma_start3A_3 : memref<1024xi32, #tpu.memory_space<hbm>>) target(%arg7 : memref<1024xi32, #tpu.memory_space<vmem>>) target_semaphore(%arg13 : memref<!tpu.dma_semaphore, #tpu.memory_space<semaphore_mem>>)
    %dma_start3A_4 = tpu.memref_slice %arg4[%mul3A_0] : memref<16384xi32, #tpu.memory_space<hbm>> -> memref<1024xi32, #tpu.memory_space<hbm>>
    %dma_start3A_5 = tpu.memref_slice %arg4[%mul3A_0] : memref<16384xi32, #tpu.memory_space<hbm>> -> memref<1024xi32, #tpu.memory_space<hbm>>
    tpu.enqueue_dma source(%dma_start3A_5 : memref<1024xi32, #tpu.memory_space<hbm>>) target(%arg8 : memref<1024xi32, #tpu.memory_space<vmem>>) target_semaphore(%arg14 : memref<!tpu.dma_semaphore, #tpu.memory_space<semaphore_mem>>)
    %dma_wait3A = tpu.memref_slice %arg2[%mul3A_0] : memref<16384xf32, #tpu.memory_space<hbm>> -> memref<1024xf32, #tpu.memory_space<hbm>>
    %dma_wait3A_6 = tpu.memref_slice %arg2[%mul3A_0] : memref<16384xf32, #tpu.memory_space<hbm>> -> memref<1024xf32, #tpu.memory_space<hbm>>
    tpu.wait_dma2 semaphore(%arg12 : memref<!tpu.dma_semaphore, #tpu.memory_space<semaphore_mem>>) src(%dma_wait3A_6 : memref<1024xf32, #tpu.memory_space<hbm>>) dst(%arg6 : memref<1024xf32, #tpu.memory_space<vmem>>)
    %dma_wait3A_7 = tpu.memref_slice %arg3[%mul3A_0] : memref<16384xi32, #tpu.memory_space<hbm>> -> memref<1024xi32, #tpu.memory_space<hbm>>
    %dma_wait3A_8 = tpu.memref_slice %arg3[%mul3A_0] : memref<16384xi32, #tpu.memory_space<hbm>> -> memref<1024xi32, #tpu.memory_space<hbm>>
    tpu.wait_dma2 semaphore(%arg13 : memref<!tpu.dma_semaphore, #tpu.memory_space<semaphore_mem>>) src(%dma_wait3A_8 : memref<1024xi32, #tpu.memory_space<hbm>>) dst(%arg7 : memref<1024xi32, #tpu.memory_space<vmem>>)
    %dma_wait3A_9 = tpu.memref_slice %arg4[%mul3A_0] : memref<16384xi32, #tpu.memory_space<hbm>> -> memref<1024xi32, #tpu.memory_space<hbm>>
    %dma_wait3A_10 = tpu.memref_slice %arg4[%mul3A_0] : memref<16384xi32, #tpu.memory_space<hbm>> -> memref<1024xi32, #tpu.memory_space<hbm>>
    tpu.wait_dma2 semaphore(%arg14 : memref<!tpu.dma_semaphore, #tpu.memory_space<semaphore_mem>>) src(%dma_wait3A_10 : memref<1024xi32, #tpu.memory_space<hbm>>) dst(%arg8 : memref<1024xi32, #tpu.memory_space<vmem>>)
    %iota3A = tpu.iota {dimensions = array<i32: 0>} : vector<16xi32>
    %broadcast_in_dim3A = arith.constant 0.000000e+00 : f32
    %broadcast_in_dim3A_11 = vector.broadcast %broadcast_in_dim3A : f32 to vector<16xf32>
    %scan3A = arith.constant 0 : i32
    %scan3A_12 = arith.constant 64 : i32
    %scan3A_13 = arith.addi %scan3A, %scan3A_12 : i32
    %scan3A_14 = arith.constant 1 : i32
    %scan3A_15:7 = scf.for %scan3A_46 = %scan3A to %scan3A_13 step %scan3A_14 iter_args(%scan3A_47 = %broadcast_in_dim3A_11, %scan3A_48 = %broadcast_in_dim3A_11, %scan3A_49 = %broadcast_in_dim3A_11, %scan3A_50 = %broadcast_in_dim3A_11, %scan3A_51 = %broadcast_in_dim3A_11, %scan3A_52 = %broadcast_in_dim3A_11, %scan3A_53 = %broadcast_in_dim3A_11) -> (vector<16xf32>, vector<16xf32>, vector<16xf32>, vector<16xf32>, vector<16xf32>, vector<16xf32>, vector<16xf32>)  : i32 {
      %mul3A_54 = arith.constant 16 : i32
      %mul3A_55 = arith.muli %scan3A_46, %mul3A_54 : i32
      %get3A = arith.index_cast %mul3A_55 : i32 to index
      %get3A_56 = tpu.vector_load %arg6[%get3A] {strides = array<i32>} : memref<1024xf32, #tpu.memory_space<vmem>>, vector<16xf32>,
      %get3A_57 = vector.shape_cast %get3A_56 : vector<16xf32> to vector<16xf32>
      %mul3A_58 = arith.constant 16 : i32
      %mul3A_59 = arith.muli %scan3A_46, %mul3A_58 : i32
      %get3A_60 = arith.index_cast %mul3A_59 : i32 to index
      %get3A_61 = tpu.vector_load %arg7[%get3A_60] {strides = array<i32>} : memref<1024xi32, #tpu.memory_space<vmem>>, vector<16xi32>,
      %get3A_62 = vector.shape_cast %get3A_61 : vector<16xi32> to vector<16xi32>
      %convert_element_type3A_63 = arith.sitofp %get3A_62 : vector<16xi32> to vector<16xf32>
      %mul3A_64 = arith.constant 16 : i32
      %mul3A_65 = arith.muli %scan3A_46, %mul3A_64 : i32
      %get3A_66 = arith.index_cast %mul3A_65 : i32 to index
      %get3A_67 = tpu.vector_load %arg8[%get3A_66] {strides = array<i32>} : memref<1024xi32, #tpu.memory_space<vmem>>, vector<16xi32>,
      %get3A_68 = vector.shape_cast %get3A_67 : vector<16xi32> to vector<16xi32>
      %convert_element_type3A_69 = arith.sitofp %get3A_68 : vector<16xi32> to vector<16xf32>
      %mul3A_70 = arith.mulf %convert_element_type3A_69, %convert_element_type3A_63 : vector<16xf32>
      %add3A = arith.addf %scan3A_47, %get3A_57 : vector<16xf32>
      %mul3A_71 = arith.mulf %get3A_57, %convert_element_type3A_69 : vector<16xf32>
      %add3A_72 = arith.addf %scan3A_48, %mul3A_71 : vector<16xf32>
      %mul3A_73 = arith.mulf %get3A_57, %convert_element_type3A_63 : vector<16xf32>
      %add3A_74 = arith.addf %scan3A_49, %mul3A_73 : vector<16xf32>
      %mul3A_75 = arith.mulf %get3A_57, %mul3A_70 : vector<16xf32>
      %add3A_76 = arith.addf %scan3A_50, %mul3A_75 : vector<16xf32>
      %add3A_77 = arith.addf %scan3A_51, %convert_element_type3A_69 : vector<16xf32>
      %add3A_78 = arith.addf %scan3A_52, %convert_element_type3A_63 : vector<16xf32>
      %add3A_79 = arith.addf %scan3A_53, %mul3A_70 : vector<16xf32>
      scf.yield %add3A, %add3A_72, %add3A_74, %add3A_76, %add3A_77, %add3A_78, %add3A_79 : vector<16xf32>, vector<16xf32>, vector<16xf32>, vector<16xf32>, vector<16xf32>, vector<16xf32>, vector<16xf32>
    }
    %scan3A_16 = arith.constant 64 : i32
    %swap3A = arith.constant 0 : index
    %swap3A_17 = tpu.vector_load %arg9[%swap3A] {strides = array<i32>} : memref<128xf32, #tpu.memory_space<vmem>>, vector<16xf32>,
    %swap3A_18 = vector.shape_cast %swap3A_17 : vector<16xf32> to vector<16xf32>
    %swap3A_19 = vector.shape_cast %scan3A_15#0 : vector<16xf32> to vector<16xf32>
    tpu.vector_store %arg9[%swap3A], %swap3A_19 {strides = array<i32>} : memref<128xf32, #tpu.memory_space<vmem>>, vector<16xf32>,
    %swap3A_20 = arith.constant 16 : index
    %swap3A_21 = tpu.vector_load %arg9[%swap3A_20] {strides = array<i32>} : memref<128xf32, #tpu.memory_space<vmem>>, vector<16xf32>,
    %swap3A_22 = vector.shape_cast %swap3A_21 : vector<16xf32> to vector<16xf32>
    %swap3A_23 = vector.shape_cast %scan3A_15#1 : vector<16xf32> to vector<16xf32>
    tpu.vector_store %arg9[%swap3A_20], %swap3A_23 {strides = array<i32>} : memref<128xf32, #tpu.memory_space<vmem>>, vector<16xf32>,
    %swap3A_24 = arith.constant 32 : index
    %swap3A_25 = tpu.vector_load %arg9[%swap3A_24] {strides = array<i32>} : memref<128xf32, #tpu.memory_space<vmem>>, vector<16xf32>,
    %swap3A_26 = vector.shape_cast %swap3A_25 : vector<16xf32> to vector<16xf32>
    %swap3A_27 = vector.shape_cast %scan3A_15#2 : vector<16xf32> to vector<16xf32>
    tpu.vector_store %arg9[%swap3A_24], %swap3A_27 {strides = array<i32>} : memref<128xf32, #tpu.memory_space<vmem>>, vector<16xf32>,
    %swap3A_28 = arith.constant 48 : index
    %swap3A_29 = tpu.vector_load %arg9[%swap3A_28] {strides = array<i32>} : memref<128xf32, #tpu.memory_space<vmem>>, vector<16xf32>,
    %swap3A_30 = vector.shape_cast %swap3A_29 : vector<16xf32> to vector<16xf32>
    %swap3A_31 = vector.shape_cast %scan3A_15#3 : vector<16xf32> to vector<16xf32>
    tpu.vector_store %arg9[%swap3A_28], %swap3A_31 {strides = array<i32>} : memref<128xf32, #tpu.memory_space<vmem>>, vector<16xf32>,
    %swap3A_32 = arith.constant 64 : index
    %swap3A_33 = tpu.vector_load %arg9[%swap3A_32] {strides = array<i32>} : memref<128xf32, #tpu.memory_space<vmem>>, vector<16xf32>,
    %swap3A_34 = vector.shape_cast %swap3A_33 : vector<16xf32> to vector<16xf32>
    %swap3A_35 = vector.shape_cast %scan3A_15#4 : vector<16xf32> to vector<16xf32>
    tpu.vector_store %arg9[%swap3A_32], %swap3A_35 {strides = array<i32>} : memref<128xf32, #tpu.memory_space<vmem>>, vector<16xf32>,
    %swap3A_36 = arith.constant 80 : index
    %swap3A_37 = tpu.vector_load %arg9[%swap3A_36] {strides = array<i32>} : memref<128xf32, #tpu.memory_space<vmem>>, vector<16xf32>,
    %swap3A_38 = vector.shape_cast %swap3A_37 : vector<16xf32> to vector<16xf32>
    %swap3A_39 = vector.shape_cast %scan3A_15#5 : vector<16xf32> to vector<16xf32>
    tpu.vector_store %arg9[%swap3A_36], %swap3A_39 {strides = array<i32>} : memref<128xf32, #tpu.memory_space<vmem>>, vector<16xf32>,
    %swap3A_40 = arith.constant 96 : index
    %swap3A_41 = tpu.vector_load %arg9[%swap3A_40] {strides = array<i32>} : memref<128xf32, #tpu.memory_space<vmem>>, vector<16xf32>,
    %swap3A_42 = vector.shape_cast %swap3A_41 : vector<16xf32> to vector<16xf32>
    %swap3A_43 = vector.shape_cast %scan3A_15#6 : vector<16xf32> to vector<16xf32>
    tpu.vector_store %arg9[%swap3A_40], %swap3A_43 {strides = array<i32>} : memref<128xf32, #tpu.memory_space<vmem>>, vector<16xf32>,
    "tpu.region"() ({
      %run_scoped3A = tpu.sem_alloc : memref<!tpu.dma_semaphore, #tpu.memory_space<semaphore_mem>>
      %dma_start3A_46 = arith.constant 0 : i32
      %dma_start3A_47 = tpu.memref_slice %arg11[%arg1, %dma_start3A_46] : memref<16x128xf32, #tpu.memory_space<vmem_shared>> -> memref<1x128xf32, #tpu.memory_space<vmem_shared>>
      %dma_start3A_48 = tpu.memref_squeeze %dma_start3A_47 : memref<1x128xf32, #tpu.memory_space<vmem_shared>> -> memref<128xf32, #tpu.memory_space<vmem_shared>>
      %dma_start3A_49 = arith.constant 0 : i32
      %dma_start3A_50 = tpu.memref_slice %arg11[%arg1, %dma_start3A_49] : memref<16x128xf32, #tpu.memory_space<vmem_shared>> -> memref<1x128xf32, #tpu.memory_space<vmem_shared>>
      %dma_start3A_51 = tpu.memref_squeeze %dma_start3A_50 : memref<1x128xf32, #tpu.memory_space<vmem_shared>> -> memref<128xf32, #tpu.memory_space<vmem_shared>>
      tpu.enqueue_dma source(%arg9 : memref<128xf32, #tpu.memory_space<vmem>>) target(%dma_start3A_51 : memref<128xf32, #tpu.memory_space<vmem_shared>>) target_semaphore(%run_scoped3A : memref<!tpu.dma_semaphore, #tpu.memory_space<semaphore_mem>>)
      %dma_wait3A_52 = arith.constant 0 : i32
      %dma_wait3A_53 = tpu.memref_slice %arg11[%arg1, %dma_wait3A_52] : memref<16x128xf32, #tpu.memory_space<vmem_shared>> -> memref<1x128xf32, #tpu.memory_space<vmem_shared>>
      %dma_wait3A_54 = tpu.memref_squeeze %dma_wait3A_53 : memref<1x128xf32, #tpu.memory_space<vmem_shared>> -> memref<128xf32, #tpu.memory_space<vmem_shared>>
      %dma_wait3A_55 = arith.constant 0 : i32
      %dma_wait3A_56 = tpu.memref_slice %arg11[%arg1, %dma_wait3A_55] : memref<16x128xf32, #tpu.memory_space<vmem_shared>> -> memref<1x128xf32, #tpu.memory_space<vmem_shared>>
      %dma_wait3A_57 = tpu.memref_squeeze %dma_wait3A_56 : memref<1x128xf32, #tpu.memory_space<vmem_shared>> -> memref<128xf32, #tpu.memory_space<vmem_shared>>
      tpu.wait_dma2 semaphore(%run_scoped3A : memref<!tpu.dma_semaphore, #tpu.memory_space<semaphore_mem>>) src(%arg9 : memref<128xf32, #tpu.memory_space<vmem>>) dst(%dma_wait3A_57 : memref<128xf32, #tpu.memory_space<vmem_shared>>)
      tpu.yield
    }) : () -> ()
    %barrier3A = arith.constant 0 : index
    tpu.barrier barrier_id(%barrier3A)
    %eq3A = arith.constant 0 : i32
    %eq3A_44 = arith.cmpi eq, %arg1, %eq3A : i32
    %convert_element_type3A = arith.extui %eq3A_44 : i1 to i32
    %cond3A = arith.constant 0 : i32
    %cond3A_45 = arith.cmpi ne, %convert_element_type3A, %cond3A : i32
    scf.if %cond3A_45 {
      "tpu.region"() ({
        %run_scoped3A = tpu.sem_alloc : memref<!tpu.dma_semaphore, #tpu.memory_space<semaphore_mem>>
        tpu.enqueue_dma source(%arg11 : memref<16x128xf32, #tpu.memory_space<vmem_shared>>) target(%arg10 : memref<16x128xf32, #tpu.memory_space<vmem>>) target_semaphore(%run_scoped3A : memref<!tpu.dma_semaphore, #tpu.memory_space<semaphore_mem>>)
        tpu.wait_dma2 semaphore(%run_scoped3A : memref<!tpu.dma_semaphore, #tpu.memory_space<semaphore_mem>>) src(%arg11 : memref<16x128xf32, #tpu.memory_space<vmem_shared>>) dst(%arg10 : memref<16x128xf32, #tpu.memory_space<vmem>>)
        tpu.yield
      }) : () -> ()
      %scan3A_46 = arith.constant 0 : i32
      %scan3A_47 = arith.constant 16 : i32
      %scan3A_48 = arith.addi %scan3A_46, %scan3A_47 : i32
      %scan3A_49 = arith.constant 1 : i32
      %scan3A_50:7 = scf.for %scan3A_267 = %scan3A_46 to %scan3A_48 step %scan3A_49 iter_args(%scan3A_268 = %broadcast_in_dim3A_11, %scan3A_269 = %broadcast_in_dim3A_11, %scan3A_270 = %broadcast_in_dim3A_11, %scan3A_271 = %broadcast_in_dim3A_11, %scan3A_272 = %broadcast_in_dim3A_11, %scan3A_273 = %broadcast_in_dim3A_11, %scan3A_274 = %broadcast_in_dim3A_11) -> (vector<16xf32>, vector<16xf32>, vector<16xf32>, vector<16xf32>, vector<16xf32>, vector<16xf32>, vector<16xf32>)  : i32 {
        %get3A = arith.index_cast %scan3A_267 : i32 to index
        %get3A_275 = arith.constant 0 : index
        %get3A_276 = tpu.vector_load %arg10[%get3A, %get3A_275] {strides = array<i32>} : memref<16x128xf32, #tpu.memory_space<vmem>>, vector<1x16xf32>,
        %get3A_277 = vector.shape_cast %get3A_276 : vector<1x16xf32> to vector<16xf32>
        %add3A_278 = arith.addf %scan3A_268, %get3A_277 : vector<16xf32>
        %get3A_279 = arith.index_cast %scan3A_267 : i32 to index
        %get3A_280 = arith.constant 16 : index
        %get3A_281 = tpu.vector_load %arg10[%get3A_279, %get3A_280] {strides = array<i32>} : memref<16x128xf32, #tpu.memory_space<vmem>>, vector<1x16xf32>,
        %get3A_282 = vector.shape_cast %get3A_281 : vector<1x16xf32> to vector<16xf32>
        %add3A_283 = arith.addf %scan3A_269, %get3A_282 : vector<16xf32>
        %get3A_284 = arith.index_cast %scan3A_267 : i32 to index
        %get3A_285 = arith.constant 32 : index
        %get3A_286 = tpu.vector_load %arg10[%get3A_284, %get3A_285] {strides = array<i32>} : memref<16x128xf32, #tpu.memory_space<vmem>>, vector<1x16xf32>,
        %get3A_287 = vector.shape_cast %get3A_286 : vector<1x16xf32> to vector<16xf32>
        %add3A_288 = arith.addf %scan3A_270, %get3A_287 : vector<16xf32>
        %get3A_289 = arith.index_cast %scan3A_267 : i32 to index
        %get3A_290 = arith.constant 48 : index
        %get3A_291 = tpu.vector_load %arg10[%get3A_289, %get3A_290] {strides = array<i32>} : memref<16x128xf32, #tpu.memory_space<vmem>>, vector<1x16xf32>,
        %get3A_292 = vector.shape_cast %get3A_291 : vector<1x16xf32> to vector<16xf32>
        %add3A_293 = arith.addf %scan3A_271, %get3A_292 : vector<16xf32>
        %get3A_294 = arith.index_cast %scan3A_267 : i32 to index
        %get3A_295 = arith.constant 64 : index
        %get3A_296 = tpu.vector_load %arg10[%get3A_294, %get3A_295] {strides = array<i32>} : memref<16x128xf32, #tpu.memory_space<vmem>>, vector<1x16xf32>,
        %get3A_297 = vector.shape_cast %get3A_296 : vector<1x16xf32> to vector<16xf32>
        %add3A_298 = arith.addf %scan3A_272, %get3A_297 : vector<16xf32>
        %get3A_299 = arith.index_cast %scan3A_267 : i32 to index
        %get3A_300 = arith.constant 80 : index
        %get3A_301 = tpu.vector_load %arg10[%get3A_299, %get3A_300] {strides = array<i32>} : memref<16x128xf32, #tpu.memory_space<vmem>>, vector<1x16xf32>,
        %get3A_302 = vector.shape_cast %get3A_301 : vector<1x16xf32> to vector<16xf32>
        %add3A_303 = arith.addf %scan3A_273, %get3A_302 : vector<16xf32>
        %get3A_304 = arith.index_cast %scan3A_267 : i32 to index
        %get3A_305 = arith.constant 96 : index
        %get3A_306 = tpu.vector_load %arg10[%get3A_304, %get3A_305] {strides = array<i32>} : memref<16x128xf32, #tpu.memory_space<vmem>>, vector<1x16xf32>,
        %get3A_307 = vector.shape_cast %get3A_306 : vector<1x16xf32> to vector<16xf32>
        %add3A_308 = arith.addf %scan3A_274, %get3A_307 : vector<16xf32>
        scf.yield %add3A_278, %add3A_283, %add3A_288, %add3A_293, %add3A_298, %add3A_303, %add3A_308 : vector<16xf32>, vector<16xf32>, vector<16xf32>, vector<16xf32>, vector<16xf32>, vector<16xf32>, vector<16xf32>
      }
      %scan3A_51 = arith.constant 16 : i32
      %xor3A = arith.constant 8 : i32
      %xor3A_52 = vector.broadcast %xor3A : i32 to vector<16xi32>
      %xor3A_53 = arith.xori %iota3A, %xor3A_52 : vector<16xi32>
      %broadcast_in_dim3A_54 = vector.shape_cast %xor3A_53 : vector<16xi32> to vector<16x1xi32>
      %gather3A = vector.shape_cast %broadcast_in_dim3A_54 : vector<16x1xi32> to vector<16xi32>
      %gather3A_55 = tpu.dynamic_gather %scan3A_50#0[%gather3A] in [0] : vector<16xf32>, vector<16xi32> -> vector<16xf32>
      %add3A = arith.addf %scan3A_50#0, %gather3A_55 : vector<16xf32>
      %xor3A_56 = arith.constant 4 : i32
      %xor3A_57 = vector.broadcast %xor3A_56 : i32 to vector<16xi32>
      %xor3A_58 = arith.xori %iota3A, %xor3A_57 : vector<16xi32>
      %broadcast_in_dim3A_59 = vector.shape_cast %xor3A_58 : vector<16xi32> to vector<16x1xi32>
      %gather3A_60 = vector.shape_cast %broadcast_in_dim3A_59 : vector<16x1xi32> to vector<16xi32>
      %gather3A_61 = tpu.dynamic_gather %add3A[%gather3A_60] in [0] : vector<16xf32>, vector<16xi32> -> vector<16xf32>
      %add3A_62 = arith.addf %add3A, %gather3A_61 : vector<16xf32>
      %xor3A_63 = arith.constant 2 : i32
      %xor3A_64 = vector.broadcast %xor3A_63 : i32 to vector<16xi32>
      %xor3A_65 = arith.xori %iota3A, %xor3A_64 : vector<16xi32>
      %broadcast_in_dim3A_66 = vector.shape_cast %xor3A_65 : vector<16xi32> to vector<16x1xi32>
      %gather3A_67 = vector.shape_cast %broadcast_in_dim3A_66 : vector<16x1xi32> to vector<16xi32>
      %gather3A_68 = tpu.dynamic_gather %add3A_62[%gather3A_67] in [0] : vector<16xf32>, vector<16xi32> -> vector<16xf32>
      %add3A_69 = arith.addf %add3A_62, %gather3A_68 : vector<16xf32>
      %xor3A_70 = arith.constant 1 : i32
      %xor3A_71 = vector.broadcast %xor3A_70 : i32 to vector<16xi32>
      %xor3A_72 = arith.xori %iota3A, %xor3A_71 : vector<16xi32>
      %broadcast_in_dim3A_73 = vector.shape_cast %xor3A_72 : vector<16xi32> to vector<16x1xi32>
      %gather3A_74 = vector.shape_cast %broadcast_in_dim3A_73 : vector<16x1xi32> to vector<16xi32>
      %gather3A_75 = tpu.dynamic_gather %add3A_69[%gather3A_74] in [0] : vector<16xf32>, vector<16xi32> -> vector<16xf32>
      %add3A_76 = arith.addf %add3A_69, %gather3A_75 : vector<16xf32>
      %xor3A_77 = arith.constant 8 : i32
      %xor3A_78 = vector.broadcast %xor3A_77 : i32 to vector<16xi32>
      %xor3A_79 = arith.xori %iota3A, %xor3A_78 : vector<16xi32>
      %broadcast_in_dim3A_80 = vector.shape_cast %xor3A_79 : vector<16xi32> to vector<16x1xi32>
      %gather3A_81 = vector.shape_cast %broadcast_in_dim3A_80 : vector<16x1xi32> to vector<16xi32>
      %gather3A_82 = tpu.dynamic_gather %scan3A_50#1[%gather3A_81] in [0] : vector<16xf32>, vector<16xi32> -> vector<16xf32>
      %add3A_83 = arith.addf %scan3A_50#1, %gather3A_82 : vector<16xf32>
      %xor3A_84 = arith.constant 4 : i32
      %xor3A_85 = vector.broadcast %xor3A_84 : i32 to vector<16xi32>
      %xor3A_86 = arith.xori %iota3A, %xor3A_85 : vector<16xi32>
      %broadcast_in_dim3A_87 = vector.shape_cast %xor3A_86 : vector<16xi32> to vector<16x1xi32>
      %gather3A_88 = vector.shape_cast %broadcast_in_dim3A_87 : vector<16x1xi32> to vector<16xi32>
      %gather3A_89 = tpu.dynamic_gather %add3A_83[%gather3A_88] in [0] : vector<16xf32>, vector<16xi32> -> vector<16xf32>
      %add3A_90 = arith.addf %add3A_83, %gather3A_89 : vector<16xf32>
      %xor3A_91 = arith.constant 2 : i32
      %xor3A_92 = vector.broadcast %xor3A_91 : i32 to vector<16xi32>
      %xor3A_93 = arith.xori %iota3A, %xor3A_92 : vector<16xi32>
      %broadcast_in_dim3A_94 = vector.shape_cast %xor3A_93 : vector<16xi32> to vector<16x1xi32>
      %gather3A_95 = vector.shape_cast %broadcast_in_dim3A_94 : vector<16x1xi32> to vector<16xi32>
      %gather3A_96 = tpu.dynamic_gather %add3A_90[%gather3A_95] in [0] : vector<16xf32>, vector<16xi32> -> vector<16xf32>
      %add3A_97 = arith.addf %add3A_90, %gather3A_96 : vector<16xf32>
      %xor3A_98 = arith.constant 1 : i32
      %xor3A_99 = vector.broadcast %xor3A_98 : i32 to vector<16xi32>
      %xor3A_100 = arith.xori %iota3A, %xor3A_99 : vector<16xi32>
      %broadcast_in_dim3A_101 = vector.shape_cast %xor3A_100 : vector<16xi32> to vector<16x1xi32>
      %gather3A_102 = vector.shape_cast %broadcast_in_dim3A_101 : vector<16x1xi32> to vector<16xi32>
      %gather3A_103 = tpu.dynamic_gather %add3A_97[%gather3A_102] in [0] : vector<16xf32>, vector<16xi32> -> vector<16xf32>
      %add3A_104 = arith.addf %add3A_97, %gather3A_103 : vector<16xf32>
      %xor3A_105 = arith.constant 8 : i32
      %xor3A_106 = vector.broadcast %xor3A_105 : i32 to vector<16xi32>
      %xor3A_107 = arith.xori %iota3A, %xor3A_106 : vector<16xi32>
      %broadcast_in_dim3A_108 = vector.shape_cast %xor3A_107 : vector<16xi32> to vector<16x1xi32>
      %gather3A_109 = vector.shape_cast %broadcast_in_dim3A_108 : vector<16x1xi32> to vector<16xi32>
      %gather3A_110 = tpu.dynamic_gather %scan3A_50#2[%gather3A_109] in [0] : vector<16xf32>, vector<16xi32> -> vector<16xf32>
      %add3A_111 = arith.addf %scan3A_50#2, %gather3A_110 : vector<16xf32>
      %xor3A_112 = arith.constant 4 : i32
      %xor3A_113 = vector.broadcast %xor3A_112 : i32 to vector<16xi32>
      %xor3A_114 = arith.xori %iota3A, %xor3A_113 : vector<16xi32>
      %broadcast_in_dim3A_115 = vector.shape_cast %xor3A_114 : vector<16xi32> to vector<16x1xi32>
      %gather3A_116 = vector.shape_cast %broadcast_in_dim3A_115 : vector<16x1xi32> to vector<16xi32>
      %gather3A_117 = tpu.dynamic_gather %add3A_111[%gather3A_116] in [0] : vector<16xf32>, vector<16xi32> -> vector<16xf32>
      %add3A_118 = arith.addf %add3A_111, %gather3A_117 : vector<16xf32>
      %xor3A_119 = arith.constant 2 : i32
      %xor3A_120 = vector.broadcast %xor3A_119 : i32 to vector<16xi32>
      %xor3A_121 = arith.xori %iota3A, %xor3A_120 : vector<16xi32>
      %broadcast_in_dim3A_122 = vector.shape_cast %xor3A_121 : vector<16xi32> to vector<16x1xi32>
      %gather3A_123 = vector.shape_cast %broadcast_in_dim3A_122 : vector<16x1xi32> to vector<16xi32>
      %gather3A_124 = tpu.dynamic_gather %add3A_118[%gather3A_123] in [0] : vector<16xf32>, vector<16xi32> -> vector<16xf32>
      %add3A_125 = arith.addf %add3A_118, %gather3A_124 : vector<16xf32>
      %xor3A_126 = arith.constant 1 : i32
      %xor3A_127 = vector.broadcast %xor3A_126 : i32 to vector<16xi32>
      %xor3A_128 = arith.xori %iota3A, %xor3A_127 : vector<16xi32>
      %broadcast_in_dim3A_129 = vector.shape_cast %xor3A_128 : vector<16xi32> to vector<16x1xi32>
      %gather3A_130 = vector.shape_cast %broadcast_in_dim3A_129 : vector<16x1xi32> to vector<16xi32>
      %gather3A_131 = tpu.dynamic_gather %add3A_125[%gather3A_130] in [0] : vector<16xf32>, vector<16xi32> -> vector<16xf32>
      %add3A_132 = arith.addf %add3A_125, %gather3A_131 : vector<16xf32>
      %xor3A_133 = arith.constant 8 : i32
      %xor3A_134 = vector.broadcast %xor3A_133 : i32 to vector<16xi32>
      %xor3A_135 = arith.xori %iota3A, %xor3A_134 : vector<16xi32>
      %broadcast_in_dim3A_136 = vector.shape_cast %xor3A_135 : vector<16xi32> to vector<16x1xi32>
      %gather3A_137 = vector.shape_cast %broadcast_in_dim3A_136 : vector<16x1xi32> to vector<16xi32>
      %gather3A_138 = tpu.dynamic_gather %scan3A_50#3[%gather3A_137] in [0] : vector<16xf32>, vector<16xi32> -> vector<16xf32>
      %add3A_139 = arith.addf %scan3A_50#3, %gather3A_138 : vector<16xf32>
      %xor3A_140 = arith.constant 4 : i32
      %xor3A_141 = vector.broadcast %xor3A_140 : i32 to vector<16xi32>
      %xor3A_142 = arith.xori %iota3A, %xor3A_141 : vector<16xi32>
      %broadcast_in_dim3A_143 = vector.shape_cast %xor3A_142 : vector<16xi32> to vector<16x1xi32>
      %gather3A_144 = vector.shape_cast %broadcast_in_dim3A_143 : vector<16x1xi32> to vector<16xi32>
      %gather3A_145 = tpu.dynamic_gather %add3A_139[%gather3A_144] in [0] : vector<16xf32>, vector<16xi32> -> vector<16xf32>
      %add3A_146 = arith.addf %add3A_139, %gather3A_145 : vector<16xf32>
      %xor3A_147 = arith.constant 2 : i32
      %xor3A_148 = vector.broadcast %xor3A_147 : i32 to vector<16xi32>
      %xor3A_149 = arith.xori %iota3A, %xor3A_148 : vector<16xi32>
      %broadcast_in_dim3A_150 = vector.shape_cast %xor3A_149 : vector<16xi32> to vector<16x1xi32>
      %gather3A_151 = vector.shape_cast %broadcast_in_dim3A_150 : vector<16x1xi32> to vector<16xi32>
      %gather3A_152 = tpu.dynamic_gather %add3A_146[%gather3A_151] in [0] : vector<16xf32>, vector<16xi32> -> vector<16xf32>
      %add3A_153 = arith.addf %add3A_146, %gather3A_152 : vector<16xf32>
      %xor3A_154 = arith.constant 1 : i32
      %xor3A_155 = vector.broadcast %xor3A_154 : i32 to vector<16xi32>
      %xor3A_156 = arith.xori %iota3A, %xor3A_155 : vector<16xi32>
      %broadcast_in_dim3A_157 = vector.shape_cast %xor3A_156 : vector<16xi32> to vector<16x1xi32>
      %gather3A_158 = vector.shape_cast %broadcast_in_dim3A_157 : vector<16x1xi32> to vector<16xi32>
      %gather3A_159 = tpu.dynamic_gather %add3A_153[%gather3A_158] in [0] : vector<16xf32>, vector<16xi32> -> vector<16xf32>
      %add3A_160 = arith.addf %add3A_153, %gather3A_159 : vector<16xf32>
      %xor3A_161 = arith.constant 8 : i32
      %xor3A_162 = vector.broadcast %xor3A_161 : i32 to vector<16xi32>
      %xor3A_163 = arith.xori %iota3A, %xor3A_162 : vector<16xi32>
      %broadcast_in_dim3A_164 = vector.shape_cast %xor3A_163 : vector<16xi32> to vector<16x1xi32>
      %gather3A_165 = vector.shape_cast %broadcast_in_dim3A_164 : vector<16x1xi32> to vector<16xi32>
      %gather3A_166 = tpu.dynamic_gather %scan3A_50#4[%gather3A_165] in [0] : vector<16xf32>, vector<16xi32> -> vector<16xf32>
      %add3A_167 = arith.addf %scan3A_50#4, %gather3A_166 : vector<16xf32>
      %xor3A_168 = arith.constant 4 : i32
      %xor3A_169 = vector.broadcast %xor3A_168 : i32 to vector<16xi32>
      %xor3A_170 = arith.xori %iota3A, %xor3A_169 : vector<16xi32>
      %broadcast_in_dim3A_171 = vector.shape_cast %xor3A_170 : vector<16xi32> to vector<16x1xi32>
      %gather3A_172 = vector.shape_cast %broadcast_in_dim3A_171 : vector<16x1xi32> to vector<16xi32>
      %gather3A_173 = tpu.dynamic_gather %add3A_167[%gather3A_172] in [0] : vector<16xf32>, vector<16xi32> -> vector<16xf32>
      %add3A_174 = arith.addf %add3A_167, %gather3A_173 : vector<16xf32>
      %xor3A_175 = arith.constant 2 : i32
      %xor3A_176 = vector.broadcast %xor3A_175 : i32 to vector<16xi32>
      %xor3A_177 = arith.xori %iota3A, %xor3A_176 : vector<16xi32>
      %broadcast_in_dim3A_178 = vector.shape_cast %xor3A_177 : vector<16xi32> to vector<16x1xi32>
      %gather3A_179 = vector.shape_cast %broadcast_in_dim3A_178 : vector<16x1xi32> to vector<16xi32>
      %gather3A_180 = tpu.dynamic_gather %add3A_174[%gather3A_179] in [0] : vector<16xf32>, vector<16xi32> -> vector<16xf32>
      %add3A_181 = arith.addf %add3A_174, %gather3A_180 : vector<16xf32>
      %xor3A_182 = arith.constant 1 : i32
      %xor3A_183 = vector.broadcast %xor3A_182 : i32 to vector<16xi32>
      %xor3A_184 = arith.xori %iota3A, %xor3A_183 : vector<16xi32>
      %broadcast_in_dim3A_185 = vector.shape_cast %xor3A_184 : vector<16xi32> to vector<16x1xi32>
      %gather3A_186 = vector.shape_cast %broadcast_in_dim3A_185 : vector<16x1xi32> to vector<16xi32>
      %gather3A_187 = tpu.dynamic_gather %add3A_181[%gather3A_186] in [0] : vector<16xf32>, vector<16xi32> -> vector<16xf32>
      %add3A_188 = arith.addf %add3A_181, %gather3A_187 : vector<16xf32>
      %xor3A_189 = arith.constant 8 : i32
      %xor3A_190 = vector.broadcast %xor3A_189 : i32 to vector<16xi32>
      %xor3A_191 = arith.xori %iota3A, %xor3A_190 : vector<16xi32>
      %broadcast_in_dim3A_192 = vector.shape_cast %xor3A_191 : vector<16xi32> to vector<16x1xi32>
      %gather3A_193 = vector.shape_cast %broadcast_in_dim3A_192 : vector<16x1xi32> to vector<16xi32>
      %gather3A_194 = tpu.dynamic_gather %scan3A_50#5[%gather3A_193] in [0] : vector<16xf32>, vector<16xi32> -> vector<16xf32>
      %add3A_195 = arith.addf %scan3A_50#5, %gather3A_194 : vector<16xf32>
      %xor3A_196 = arith.constant 4 : i32
      %xor3A_197 = vector.broadcast %xor3A_196 : i32 to vector<16xi32>
      %xor3A_198 = arith.xori %iota3A, %xor3A_197 : vector<16xi32>
      %broadcast_in_dim3A_199 = vector.shape_cast %xor3A_198 : vector<16xi32> to vector<16x1xi32>
      %gather3A_200 = vector.shape_cast %broadcast_in_dim3A_199 : vector<16x1xi32> to vector<16xi32>
      %gather3A_201 = tpu.dynamic_gather %add3A_195[%gather3A_200] in [0] : vector<16xf32>, vector<16xi32> -> vector<16xf32>
      %add3A_202 = arith.addf %add3A_195, %gather3A_201 : vector<16xf32>
      %xor3A_203 = arith.constant 2 : i32
      %xor3A_204 = vector.broadcast %xor3A_203 : i32 to vector<16xi32>
      %xor3A_205 = arith.xori %iota3A, %xor3A_204 : vector<16xi32>
      %broadcast_in_dim3A_206 = vector.shape_cast %xor3A_205 : vector<16xi32> to vector<16x1xi32>
      %gather3A_207 = vector.shape_cast %broadcast_in_dim3A_206 : vector<16x1xi32> to vector<16xi32>
      %gather3A_208 = tpu.dynamic_gather %add3A_202[%gather3A_207] in [0] : vector<16xf32>, vector<16xi32> -> vector<16xf32>
      %add3A_209 = arith.addf %add3A_202, %gather3A_208 : vector<16xf32>
      %xor3A_210 = arith.constant 1 : i32
      %xor3A_211 = vector.broadcast %xor3A_210 : i32 to vector<16xi32>
      %xor3A_212 = arith.xori %iota3A, %xor3A_211 : vector<16xi32>
      %broadcast_in_dim3A_213 = vector.shape_cast %xor3A_212 : vector<16xi32> to vector<16x1xi32>
      %gather3A_214 = vector.shape_cast %broadcast_in_dim3A_213 : vector<16x1xi32> to vector<16xi32>
      %gather3A_215 = tpu.dynamic_gather %add3A_209[%gather3A_214] in [0] : vector<16xf32>, vector<16xi32> -> vector<16xf32>
      %add3A_216 = arith.addf %add3A_209, %gather3A_215 : vector<16xf32>
      %xor3A_217 = arith.constant 8 : i32
      %xor3A_218 = vector.broadcast %xor3A_217 : i32 to vector<16xi32>
      %xor3A_219 = arith.xori %iota3A, %xor3A_218 : vector<16xi32>
      %broadcast_in_dim3A_220 = vector.shape_cast %xor3A_219 : vector<16xi32> to vector<16x1xi32>
      %gather3A_221 = vector.shape_cast %broadcast_in_dim3A_220 : vector<16x1xi32> to vector<16xi32>
      %gather3A_222 = tpu.dynamic_gather %scan3A_50#6[%gather3A_221] in [0] : vector<16xf32>, vector<16xi32> -> vector<16xf32>
      %add3A_223 = arith.addf %scan3A_50#6, %gather3A_222 : vector<16xf32>
      %xor3A_224 = arith.constant 4 : i32
      %xor3A_225 = vector.broadcast %xor3A_224 : i32 to vector<16xi32>
      %xor3A_226 = arith.xori %iota3A, %xor3A_225 : vector<16xi32>
      %broadcast_in_dim3A_227 = vector.shape_cast %xor3A_226 : vector<16xi32> to vector<16x1xi32>
      %gather3A_228 = vector.shape_cast %broadcast_in_dim3A_227 : vector<16x1xi32> to vector<16xi32>
      %gather3A_229 = tpu.dynamic_gather %add3A_223[%gather3A_228] in [0] : vector<16xf32>, vector<16xi32> -> vector<16xf32>
      %add3A_230 = arith.addf %add3A_223, %gather3A_229 : vector<16xf32>
      %xor3A_231 = arith.constant 2 : i32
      %xor3A_232 = vector.broadcast %xor3A_231 : i32 to vector<16xi32>
      %xor3A_233 = arith.xori %iota3A, %xor3A_232 : vector<16xi32>
      %broadcast_in_dim3A_234 = vector.shape_cast %xor3A_233 : vector<16xi32> to vector<16x1xi32>
      %gather3A_235 = vector.shape_cast %broadcast_in_dim3A_234 : vector<16x1xi32> to vector<16xi32>
      %gather3A_236 = tpu.dynamic_gather %add3A_230[%gather3A_235] in [0] : vector<16xf32>, vector<16xi32> -> vector<16xf32>
      %add3A_237 = arith.addf %add3A_230, %gather3A_236 : vector<16xf32>
      %xor3A_238 = arith.constant 1 : i32
      %xor3A_239 = vector.broadcast %xor3A_238 : i32 to vector<16xi32>
      %xor3A_240 = arith.xori %iota3A, %xor3A_239 : vector<16xi32>
      %broadcast_in_dim3A_241 = vector.shape_cast %xor3A_240 : vector<16xi32> to vector<16x1xi32>
      %gather3A_242 = vector.shape_cast %broadcast_in_dim3A_241 : vector<16x1xi32> to vector<16xi32>
      %gather3A_243 = tpu.dynamic_gather %add3A_237[%gather3A_242] in [0] : vector<16xf32>, vector<16xi32> -> vector<16xf32>
      %add3A_244 = arith.addf %add3A_237, %gather3A_243 : vector<16xf32>
      %broadcast_in_dim3A_245 = arith.constant 1.638400e+04 : f32
      %broadcast_in_dim3A_246 = vector.broadcast %broadcast_in_dim3A_245 : f32 to vector<16xf32>
      %sub3A = arith.subf %add3A_104, %add3A_160 : vector<16xf32>
      %sub3A_247 = arith.subf %add3A_188, %add3A_244 : vector<16xf32>
      %sub3A_248 = arith.subf %add3A_132, %add3A_160 : vector<16xf32>
      %sub3A_249 = arith.subf %add3A_216, %add3A_244 : vector<16xf32>
      %sub3A_250 = arith.subf %add3A_76, %add3A_104 : vector<16xf32>
      %sub3A_251 = arith.subf %sub3A_250, %add3A_132 : vector<16xf32>
      %add3A_252 = arith.addf %sub3A_251, %add3A_160 : vector<16xf32>
      %sub3A_253 = arith.subf %broadcast_in_dim3A_246, %add3A_188 : vector<16xf32>
      %sub3A_254 = arith.subf %sub3A_253, %add3A_216 : vector<16xf32>
      %add3A_255 = arith.addf %sub3A_254, %add3A_244 : vector<16xf32>
      %div3A = arith.divf %sub3A, %sub3A_247 : vector<16xf32>
      %div3A_256 = arith.divf %add3A_160, %add3A_244 : vector<16xf32>
      %sub3A_257 = arith.subf %div3A, %div3A_256 : vector<16xf32>
      %abs3A = math.absf %sub3A_257 : vector<16xf32>
      %div3A_258 = arith.divf %add3A_252, %add3A_255 : vector<16xf32>
      %div3A_259 = arith.divf %sub3A_248, %sub3A_249 : vector<16xf32>
      %sub3A_260 = arith.subf %div3A_258, %div3A_259 : vector<16xf32>
      %abs3A_261 = math.absf %sub3A_260 : vector<16xf32>
      %add3A_262 = arith.addf %abs3A, %abs3A_261 : vector<16xf32>
      %swap3A_263 = arith.constant 0 : index
      %swap3A_264 = tpu.vector_load %arg9[%swap3A_263] {strides = array<i32>} : memref<128xf32, #tpu.memory_space<vmem>>, vector<16xf32>,
      %swap3A_265 = vector.shape_cast %swap3A_264 : vector<16xf32> to vector<16xf32>
      %swap3A_266 = vector.shape_cast %add3A_262 : vector<16xf32> to vector<16xf32>
      tpu.vector_store %arg9[%swap3A_263], %swap3A_266 {strides = array<i32>} : memref<128xf32, #tpu.memory_space<vmem>>, vector<16xf32>,
      "tpu.region"() ({
        %run_scoped3A = tpu.sem_alloc : memref<!tpu.dma_semaphore, #tpu.memory_space<semaphore_mem>>
        %dma_start3A_267 = arith.constant 0 : i32
        %dma_start3A_268 = tpu.memref_slice %arg9[%dma_start3A_267] : memref<128xf32, #tpu.memory_space<vmem>> -> memref<16xf32, #tpu.memory_space<vmem>>
        %dma_start3A_269 = arith.constant 0 : i32
        %dma_start3A_270 = tpu.memref_slice %arg9[%dma_start3A_269] : memref<128xf32, #tpu.memory_space<vmem>> -> memref<16xf32, #tpu.memory_space<vmem>>
        tpu.enqueue_dma source(%dma_start3A_270 : memref<16xf32, #tpu.memory_space<vmem>>) target(%arg5 : memref<16xf32, #tpu.memory_space<hbm>>) target_semaphore(%run_scoped3A : memref<!tpu.dma_semaphore, #tpu.memory_space<semaphore_mem>>)
        %dma_wait3A_271 = arith.constant 0 : i32
        %dma_wait3A_272 = tpu.memref_slice %arg9[%dma_wait3A_271] : memref<128xf32, #tpu.memory_space<vmem>> -> memref<16xf32, #tpu.memory_space<vmem>>
        %dma_wait3A_273 = arith.constant 0 : i32
        %dma_wait3A_274 = tpu.memref_slice %arg9[%dma_wait3A_273] : memref<128xf32, #tpu.memory_space<vmem>> -> memref<16xf32, #tpu.memory_space<vmem>>
        tpu.wait_dma2 semaphore(%run_scoped3A : memref<!tpu.dma_semaphore, #tpu.memory_space<semaphore_mem>>) src(%dma_wait3A_274 : memref<16xf32, #tpu.memory_space<vmem>>) dst(%arg5 : memref<16xf32, #tpu.memory_space<hbm>>)
        tpu.yield
      }) : () -> ()
    } else {
    }
    return
  }
}

</mosaic_0001>

<sc_bundles>
// kernel: kernel.3.cloned.1.call-start
scs
__scs_entry_jumppad:
0x0: {  	(pc) =	sbr.rel $0x88, $3  }
0x1: {  	(tag) =	ssettag $0x0;
	lr =	simm.s32 $0x1  }
0x2: {  	[smem:$0x3F9E] =	sst lr;
	_ =	strace $0xD0000000  }
0x3: {  	_ = 	snop  }
0x4: {  	_ = 	snop  }
0x5: {  	_ = 	snop  }
0x6: {  	_ = 	snop  }
0x7: {  	_ = 	snop  }
__scs_overlays_trampoline_lowered:
0x8: {  	[smem:$0x3FAD] =	sst s0  }
0x9: {  	[smem:$0x3FAE] =	sst s1  }
0xa: {  	[smem:$0x3FAF] =	sst s2  }
0xb: {  	[smem:$0x3FB0] =	sst s3  }
0xc: {  	[smem:$0x3FB1] =	sst s4  }
0xd: {  	[smem:$0x3FB2] =	sst s5  }
0xe: {  	[smem:$0x3FB3] =	sst s6  }
0xf: {  	[smem:$0x3FB4] =	sst s7  }
0x10: {  	[smem:$0x3FB5] =	sst s8  }
0x11: {  	[smem:$0x3FB6] =	sst s9;
	s0 =	simm.s32 @!p0 $0x0  }
0x12: {  	s1 =	sld [smem:$0x3F9C];
	s0 =	simm.s32 @p0 $0x1  }
0x13: {  	[smem:$0x3FB7] =	sst s0;
	s0 =	simm.s32 @!p1 $0x0  }
0x14: {  	s2 =	sld [smem:$0x3F9B];
	s0 =	simm.s32 @p1 $0x1  }
0x15: {  	[smem:$0x3FB8] =	sst s0;
	s0 =	simm.s32 @!p2 $0x0  }
0x16: {  	s3 =	sld [smem:$0x3FDB];
	s0 =	simm.s32 @p2 $0x1  }
0x17: {  	s4 =	simm.s32 $0x1BF5;
	[smem:$0x3FBA] =	sst s0  }
0x18: {  	s0 =	sld [smem:$0x3F9D];
	_ =	swait.ge [sflag:s4], $0x0  }
0x19: {  	s7 =	sld [smem:$0x3F9E]  }
0x1a: {  	s8 =	sadd.s32 $0xFFFFE003, lr  }
0x1b: {  	s9 =	sadd.s32 $0xFFFFFEF7, lr;
	s5 =	simm.s32 $0xFFFFFFFF;
	p2 =	slt.u32 s8, $0xFFFFF086  }
0x1c: {  	p1 =	slt.u32 s9, $0xF7A;
	s5 =	simm.s32 @!p2 $0x0  }
0x1d: {  	s5 =	simm.s32 @p1 $0x1;
	p0 =	seq.s32 s7, s2  }
0x1e: {  	s7 =	smul.u32 @!p0 $0xF7A, s2;
	p2 =	seq.s32 @!p0 s5, $0x0  }
0x1f: {  	s9 =	smul.u32 $0xF7A, s1;
	s8 =	simm.s32 @!p0 $0x1BF5;
	p2 =	por !p2, p0  }
0x20: {  	[sflag:s8] =	ssyncset.s32 @!p0 $0xFFFFF086;
	s6 =	sadd.s32 @!p0 s3, s7;
	s7 =	simm.s32 @!p0 $0x108  }
0x21: {  	s3 =	sadd.s32 s3, s9;
	s6 =	sadd.s32 @!p0 $0x88, s6;
	s7 =	simm.s32 @p2 $0x1082  }
0x22: {  	[simem:s7], [sflag:s8] =	dma.local @!p0 [hbm:s6], $0xF7A  }
0x23: {  	s9 =	sor.u32 $0xD0000000, s2;
	s6 =	simm.s32 $0x108;
	_ =	swait.ge @!p0 [sflag:s8], $0x0  }
0x24: {  	s3 =	sadd.s32 $0x88, s3;
	s6 =	simm.s32 @!p1 $0x1082;
	[sflag:s4] =	ssyncset.s32 $0xFFFFF086  }
0x25: {  	[simem:s6], [sflag:s4] =	dma.local [hbm:s3], $0xF7A  }
0x26: {  	[smem:$0x3F9E] =	sst s1;
	(tag) =	ssettag s2;
	_ =	strace s9  }
0x27: {  	s1 =	sld [smem:$0x3FAE]  }
0x28: {  	s2 =	sld [smem:$0x3FAF]  }
0x29: {  	s4 =	sld [smem:$0x3FB1]  }
0x2a: {  	p0 =	seq.s32 s5, $0x0;
	s5 =	sld [smem:$0x3FB2]  }
0x2b: {  	s6 =	sld [smem:$0x3FB3]  }
0x2c: {  	s7 =	sld [smem:$0x3FB4]  }
0x2d: {  	s3 =	simm.s32 $0x108;
	s8 =	sld [smem:$0x3FB5]  }
0x2e: {  	s3 =	simm.s32 @!p0 $0x1082;
	s9 =	sld [smem:$0x3FB6]  }
0x2f: {  	lr =	sadd.s32 s0, s3;
	s0 =	sld [smem:$0x3FAD]  }
0x30: {  	s3 =	sld [smem:$0x3FB0]  }
0x31: {  	[smem:$0x3FB9] =	sst s10  }
0x32: {  	s10 =	sld [smem:$0x3FB7];
	_ =	sdelay $0x3  }
0x33: {  	p0 =	seq.s32 s10, $0x1;
	s10 =	sld [smem:$0x3FB9];
	_ =	sdelay $0x3  }
0x34: {  	[smem:$0x3FB9] =	sst s10  }
0x35: {  	s10 =	sld [smem:$0x3FB8];
	_ =	sdelay $0x3  }
0x36: {  	p1 =	seq.s32 s10, $0x1;
	s10 =	sld [smem:$0x3FB9];
	_ =	sdelay $0x3  }
0x37: {  	[smem:$0x3FB9] =	sst s10  }
0x38: {  	s10 =	sld [smem:$0x3FBA]  }
0x39: {  	_ = 	snop;
	(pc) =	sbr.ind lr, $3  }
0x3a: {  	_ = 	snop  }
0x3b: {  	_ = 	snop  }
0x3c: {  	p2 =	seq.s32 s10, $0x1;
	s10 =	sld [smem:$0x3FB9]  }
0x3d: {  	_ =	shalt  }
0x3e: {  	_ =	shalt  }
0x3f: {  	_ =	shalt  }
0x40: {  	_ =	shalt  }
0x41: {  	_ =	shalt  }
0x42: {  	_ =	shalt  }
0x43: {  	_ =	shalt  }
0x44: {  	_ =	shalt  }
0x45: {  	_ =	shalt  }
0x46: {  	_ =	shalt  }
0x47: {  	_ =	shalt  }
0x48: {  	_ =	shalt  }
0x49: {  	_ =	shalt  }
0x4a: {  	_ =	shalt  }
0x4b: {  	_ =	shalt  }
0x4c: {  	_ =	shalt  }
0x4d: {  	_ =	shalt  }
0x4e: {  	_ =	shalt  }
0x4f: {  	_ =	shalt  }
0x50: {  	_ =	shalt  }
0x51: {  	_ =	shalt  }
0x52: {  	_ =	shalt  }
0x53: {  	_ =	shalt  }
0x54: {  	_ =	shalt  }
0x55: {  	_ =	shalt  }
0x56: {  	_ =	shalt  }
0x57: {  	_ =	shalt  }
0x58: {  	_ =	shalt  }
0x59: {  	_ =	shalt  }
0x5a: {  	_ =	shalt  }
0x5b: {  	_ =	shalt  }
0x5c: {  	_ =	shalt  }
0x5d: {  	_ =	shalt  }
0x5e: {  	_ =	shalt  }
0x5f: {  	_ =	shalt  }
0x60: {  	_ =	shalt  }
0x61: {  	_ =	shalt  }
0x62: {  	_ =	shalt  }
0x63: {  	_ =	shalt  }
0x64: {  	_ =	shalt  }
0x65: {  	_ =	shalt  }
0x66: {  	_ =	shalt  }
0x67: {  	_ =	shalt  }
0x68: {  	_ =	shalt  }
0x69: {  	_ =	shalt  }
0x6a: {  	_ =	shalt  }
0x6b: {  	_ =	shalt  }
0x6c: {  	_ =	shalt  }
0x6d: {  	_ =	shalt  }
0x6e: {  	_ =	shalt  }
0x6f: {  	_ =	shalt  }
0x70: {  	_ =	shalt  }
0x71: {  	_ =	shalt  }
0x72: {  	_ =	shalt  }
0x73: {  	_ =	shalt  }
0x74: {  	_ =	shalt  }
0x75: {  	_ =	shalt  }
0x76: {  	_ =	shalt  }
0x77: {  	_ =	shalt  }
0x78: {  	_ =	shalt  }
0x79: {  	_ =	shalt  }
0x7a: {  	_ =	shalt  }
0x7b: {  	_ =	shalt  }
0x7c: {  	_ =	shalt  }
0x7d: {  	_ =	shalt  }
0x7e: {  	_ =	shalt  }
0x7f: {  	_ =	shalt  }
0x80: {  	_ =	shalt  }
0x81: {  	_ =	shalt  }
0x82: {  	_ =	shalt  }
0x83: {  	_ =	shalt  }
0x84: {  	_ =	shalt  }
0x85: {  	_ =	shalt  }
0x86: {  	_ =	shalt  }
0x87: {  	_ =	shalt  }
.Lfunc_end0:
.L_simem_size_0:
called_computation_lowered:
.L_overlay_start_0:
0x88: {  	s0 =	sld [smem:$0x3FD9]  }
0x89: {  	s1 =	sld [smem:$0x3FFE];
	_ =	sdelay $0x3  }
0x8a: {  	s0 =	sadd.s32 s1, s0  }
0x8b: {  	[smem:$0x3FC5] =	sst s0  }
0x8c: {  	_ = 	snop  }
0x8d: {  	s0 =	sld [smem:$0x3FC8]  }
0x8e: {  	s16 =	sld [smem:$0x3FC7]  }
0x8f: {  	s2 =	sld [smem:$0x3FD0];
	(tm) =	ssettm $0x1  }
0x90: {  	s3 =	sld [smem:$0x3FFB];
	_ =	sdelay $0x3  }
0x91: {  	_ =	strace s3  }
0x92: {  	s3 =	sld [smem:$0x3FFC];
	_ =	sdelay $0x3  }
0x93: {  	_ =	strace s3  }
0x94: {  	s3 =	sld [smem:$0x3FFD];
	_ =	sdelay $0x3  }
0x95: {  	_ =	strace s3  }
0x96: {  	_ =	strace $0x8FFFFFFF  }
0x97: {  	s17 =	sld [smem:$0x3FDB];
	_ =	sdelay $0x1  }
0x98: {  	s4 =	simm.s32 $_scs_section_size  }
0x99: {  	s5 =	simm.s32 $_size__tile_overlayer_lowered;
	s6 =	simm.s32 $_tile_overlayer_lowered  }
0x9a: {  	s20 =	simm.s32 $0x1BFF;
	s19 =	sshll.u32 s6, $0x1;
	s3 =	sadd.s32 s4, s17  }
0x9b: {  	s7 =	simm.s32 $0x0;
	s18 =	sshll.u32 s5, $0x1;
	s5 =	sadd.s32 s19, s3  }
0x9c: {  	[timem:s7], [sflag:s20] =	dma.local [hbm:s5], s18  }
0x9d: {  	_ =	swait.ge [sflag:s20], s18  }
0x9e: {  	s4 =	ssub.s32 $0x0, s18;
	[sflag:s20] =	ssyncset.done $0x0  }
0x9f: {  	[sflag:s20] =	ssyncadd.s32 s4;
	_ =	sdelay $0x1  }
0xa0: {  	s21 =	simm.s32 $0x1B8B  }
0xa1: {  	_ =	swait.ge [sflag:s21], $0x1  }
0xa2: {  	[sflag:s21] =	ssyncset.done $0x0  }
0xa3: {  	s23 =	simm.s32 $0x1B8E;
	s22 =	sld [smem:$0x3FFE];
	[sflag:s21] =	ssyncadd.s32 $0xFFFFFFFF  }
0xa4: {  	s24 =	simm.s32 $execute0_lowered;
	[smem:$0x3FD2] =	sst s23  }
0xa5: {  	s5 =	sshll.u32 s24, $0x1;
	_ =	strace $0x80000046;
	[dreg:$0x1] =	wrdreg $0xFFFFFFFF  }
0xa6: {  	s25 =	simm.s32 $_size_execute0_lowered;
	s3 =	sadd.s32 s3, s5;
	[dreg:$0x0] =	wrdreg $0x0  }
0xa7: {  	s5 =	sshll.u32 s25, $0x1;
	[dreg:$0x2] =	wrdreg s3  }
0xa8: {  	[dreg:$0x3] =	wrdreg s5  }
0xa9: {  	[dreg:$0x4] =	wrdreg $0xC0  }
0xaa: {  	_ =	task [dreg:s7], $0x5FFFF  }
0xab: {  	[dreg:$0x1] =	wrdreg $0xFFFFFFFF  }
0xac: {  	[dreg:$0x0] =	wrdreg $0x60  }
0xad: {  	[dreg:$0x2] =	wrdreg s22  }
0xae: {  	[dreg:$0x3] =	wrdreg s0  }
0xaf: {  	[dreg:$0x4] =	wrdreg s16  }
0xb0: {  	[dreg:$0x5] =	wrdreg s2  }
0xb1: {  	[dreg:$0x6] =	wrdreg $0x14800  }
0xb2: {  	[dreg:$0x7] =	wrdreg $0x9  }
0xb3: {  	_ =	task.clear_ibuf [dreg:s7], $0x8FFFF;
	_ =	strace $0x90000046  }
0xb4: {  	s26 =	simm.s32 $0x9;
	_ =	strace $0x80000048  }
0xb5: {  	_ =	swait.ge [sflag:s26], $0x1  }
0xb6: {  	[sflag:s26] =	ssyncadd.s32 $0xFFFFFFFF  }
0xb7: {  	_ =	strace $0x90000048  }
0xb8: {  	_ =	sfence  }
0xb9: {  	s28 =	sld [smem:$0x0];
	_ =	sdelay $0x1  }
0xba: {  	s29 =	srdreg.scid  }
0xbb: {  	s30 =	sshll.u32 s29, $0xD;
	s31 =	sshrl.u32 s29, $0x2  }
0xbc: {  	s1 =	sand.u32 $0x1, s29;
	s2 =	sand.u32 $0x4000, s30;
	s0 =	sadd.s32 s31, s28  }
0xbd: {  	s1 =	sor.u32 s2, s1;
	s0 =	sshll.u32 s0, $0x11  }
0xbe: {  	s0 =	sor.u32 s0, s1  }
0xbf: {  	s0 =	sadd.s32 $0x8F2B, s0  }
0xc0: {  	[sflag:s0] =	ssyncadd.remote.s32 $0x1  }
0xc1: {  	_ =	sfence.sel $0xFFFF  }
0xc2: {  	[dreg:$0x0] =	wrdreg $0xFFFFFFFF;
	(pc) =	sbr.abs _section_cstart, $3  }
0xc3: {  	[dreg:$0x1] =	wrdreg $0xFFFFFFFF  }
0xc4: {  	_ =	task.clear_ibuf [dreg:s7], $0x2FFFF;
	_ =	strace $0x9FFFFFFF  }
0xc5: {  	(tm) =	ssettm $0x7FFFFFFF  }
tec
execute0_lowered:
.L_overlay_start_1:
0x0: {  	(tag) =	ssettag $0x1  }
0x1: {  	s5 =	rddreg [dreg:$0x0]  }
0x2: {  	s6 =	rddreg [dreg:$0x1]  }
0x3: {  	s7 =	rddreg [dreg:$0x2]  }
0x4: {  	s1 =	rddreg [dreg:$0x3];
	s3 =	stileid.u32  }
0x5: {  	s2 =	rddreg [dreg:$0x4];
	s8 =	simm.s32 $0x0;
	s4 =	sshll.u32 s3, $0x7  }
0x6: {  	[smem:$0x7FF] =	sst s8;
	s5 =	sadd.s32 s4, s5  }
0x7: {  	s0 =	rddreg [dreg:$0x5];
	_ =	strace $0x80000047;
	s5 =	sadd.s32 $0x400, s5  }
0x8: {  	[tilespmem:s8], [sflag:$0x1] =	stream.linear.gather [hbm4b:s5+s8], $0x400, $0x38;
	[tilespmem:$0x1500] =	vst v63  }
0x9: {  	s24 =	simm.s32 $0x400;
	s23 =	sadd.s32 s6, s4  }
0xa: {  	[tilespmem:s24], [sflag:$0x2] =	stream.linear.gather [hbm4b:s23+s8], $0x400, $0x38;
	[tilespmem:$0x1500] =	vst v63  }
0xb: {  	s26 =	simm.s32 $0x800;
	s28 =	simm.s32 $0x1;
	s25 =	sadd.s32 s7, s4  }
0xc: {  	[tilespmem:s26], [sflag:$0x3] =	stream.linear.gather [hbm4b:s25+s8], $0x400, $0x38;
	[tilespmem:$0x1500] =	vst v63  }
0xd: {  	_ =	swait.ge [sflag:s28], $0x400  }
0xe: {  	[sflag:s28] =	ssyncset.done $0x0  }
0xf: {  	s29 =	simm.s32 $0x2;
	[sflag:s28] =	ssyncadd.s32 $0xFFFFFC00  }
0x10: {  	_ =	swait.ge [sflag:s29], $0x400  }
0x11: {  	[sflag:s29] =	ssyncset.done $0x0  }
0x12: {  	s30 =	simm.s32 $0x3;
	[sflag:s29] =	ssyncadd.s32 $0xFFFFFC00  }
0x13: {  	_ =	swait.ge [sflag:s30], $0x400  }
0x14: {  	[sflag:s30] =	ssyncset.done $0x0  }
0x15: {  	s31 =	simm.s32 $0x0;
	[sflag:s30] =	ssyncadd.s32 $0xFFFFFC00  }
0x16: {  	v0 =	vld [tilespmem:s31+$0x400]  }
0x17: {  	v1 =	vld [tilespmem:s31+$0x800];
	_ =	sdelay $0x2  }
0x18: {  	v3 =	vld [tilespmem:s31+$0x0]  }
0x19: {  	s5 =	simm.s32 $0x10  }
0x1a: {  	v7 =	vld [tilespmem:s5+$0x400];
	v5 =	vcvt.s32.f32 v0;
	v2 =	vcvt.s32.f32 v1  }
0x1b: {  	v4 =	vimm.f32 $0.0e+00;
	v12 =	vld [tilespmem:s5+$0x800]  }
0x1c: {  	v9 =	vimm.f32 $0.0e+00;
	v8 =	vimm.f32 $0.0e+00;
	v6 =	vmul.f32 v2, v5  }
0x1d: {  	v1 =	vadd.f32 v2, v4;
	v0 =	vadd.f32 v5, v4;
	v11 =	vmul.f32 v2, v3  }
0x1e: {  	s6 =	simm.s32 $0x80;
	v10 =	vmul.f32 v6, v3;
	v2 =	vadd.f32 v6, v4;
	v6 =	vimm.f32 $0.0e+00  }
.LBB2_1:
0x1f: {  	v4 =	vadd.f32 v3, v4;
	v13 =	vmul.f32 v5, v3;
	v3 =	vld [tilespmem:s5+$0x0];
	s5 =	sshra.s32 s6, $0x2;
	p0 =	sne.s32 s6, $0xFC0  }
.Ltmp0:
0x20: {  	s6 =	sadd.s32 $0x40, s6;
	v5 =	vcvt.s32.f32 v7;
	v7 =	vld [tilespmem:s5+$0x400];
	v14 =	vcvt.s32.f32 v12;
	v6 =	vadd.f32 v10, v6;
	(pc) =	sbr.rel @p0 .LBB2_1-.Ltmp0, $3  }
0x21: {  	v9 =	vadd.f32 v11, v9;
	v12 =	vld [tilespmem:s5+$0x800];
	v8 =	vadd.f32 v13, v8  }
0x22: {  	v0 =	vadd.f32 v5, v0;
	v13 =	vmul.f32 v14, v5;
	v1 =	vadd.f32 v14, v1;
	_ =	sdelay $0x1  }
0x23: {  	v11 =	vmul.f32 v14, v3;
	v10 =	vmul.f32 v13, v3;
	v2 =	vadd.f32 v13, v2  }
0x24: {  	v13 =	vld [tilespmem:s5+$0x0]  }
0x25: {  	v7 =	vcvt.s32.f32 v7  }
0x26: {  	v12 =	vcvt.s32.f32 v12  }
0x27: {  	v4 =	vadd.f32 v3, v4;
	v0 =	vadd.f32 v7, v0  }
0x28: {  	v57 =	vmul.f32 v5, v3;
	v59 =	vmul.f32 v12, v7;
	v1 =	vadd.f32 v12, v1  }
0x29: {  	v58 =	vadd.f32 v11, v9;
	[tilespmem:$0xC50] =	vst v0;
	v60 =	vmul.f32 v12, v13;
	v4 =	vadd.f32 v13, v4  }
0x2a: {  	v3 =	vadd.f32 v57, v8;
	v61 =	vmul.f32 v7, v13;
	v2 =	vadd.f32 v59, v2;
	[tilespmem:$0xC40] =	vst v1  }
0x2b: {  	v6 =	vadd.f32 v10, v6;
	v62 =	vmul.f32 v59, v13;
	v5 =	vadd.f32 v60, v58;
	[tilespmem:$0xC00] =	vst v4  }
0x2c: {  	v3 =	vadd.f32 v61, v3;
	[tilespmem:$0xC60] =	vst v2  }
0x2d: {  	v63 =	vadd.f32 v62, v6;
	[tilespmem:$0xC10] =	vst v5  }
0x2e: {  	[tilespmem:$0xC20] =	vst v3  }
0x2f: {  	s4 =	sadd.s32 s4, s2;
	s31 =	simm.s32 $0xC00;
	[tilespmem:$0xC30] =	vst v63  }
0x30: {  	[spmem:s4] =	stream.linear.scatter [tilespmem:s31], [sflag:$0x4], $0x80, $0x38;
	[tilespmem:$0x1500] =	vst v63  }
0x31: {  	s4 =	simm.s32 $0x4  }
0x32: {  	_ =	swait.ge [sflag:s4], $0x80  }
0x33: {  	[sflag:s4] =	ssyncset.done $0x0  }
0x34: {  	[sflag:s4] =	ssyncadd.s32 $0xFFFFFF80  }
0x35: {  	p0 =	sne.s32 s3, $0x0;
	[bflag:$0x0] =	sbarrier.arrive $0xFFFF  }
0x36: {  	_ =	sfence.sel @p0 $0x180000  }
0x37: {  	[bflag:$0x0] =	sbarrier.arrive @p0 $0xFFFF  }
0x38: {  	_ =	strace @p0 $0x90000047  }
0x39: {  	[bflag:$0x2] =	sbarrier.arrive @p0 $0xFFFF  }
0x3a: {  	_ =	shalt @p0  }
.LBB2_3:
0x3b: {  	s3 =	simm.s32 $0xC80  }
0x3c: {  	[tilespmem:s3], [sflag:$0x4] =	stream.linear.gather [spmem:s2], $0x800, $0x38;
	[tilespmem:$0x1500] =	vst v63  }
0x3d: {  	_ =	swait.ge [sflag:s4], $0x800  }
0x3e: {  	[sflag:s4] =	ssyncset.done $0x0  }
0x3f: {  	s31 =	simm.s32 $0x0;
	[sflag:s4] =	ssyncadd.s32 $0xFFFFF800  }
0x40: {  	v0 =	vld [tilespmem:s31+$0xCE0]  }
0x41: {  	v5 =	vld [tilespmem:s31+$0xC80]  }
0x42: {  	v10 =	vld [tilespmem:s31+$0xC90]  }
0x43: {  	v6 =	vld [tilespmem:s31+$0xCA0]  }
0x44: {  	v4 =	vimm.f32 $0.0e+00;
	v2 =	vld [tilespmem:s31+$0xCB0]  }
0x45: {  	v7 =	vimm.f32 $0.0e+00;
	v8 =	vimm.f32 $0.0e+00;
	v9 =	vimm.f32 $0.0e+00;
	v3 =	vld [tilespmem:s31+$0xCC0]  }
0x46: {  	s2 =	simm.s32 $0x80;
	s3 =	simm.s32 $0x400;
	v11 =	vld [tilespmem:s31+$0xCD0];
	v1 =	vadd.f32 v0, v4;
	v0 =	vadd.f32 v5, v4;
	v5 =	vimm.f32 $0.0e+00  }
.LBB2_4:
0x47: {  	p0 =	sne.s32 s3, $0x1E00;
	v12 =	vld [tilespmem:s2+$0xCE0];
	v4 =	vadd.f32 v10, v4  }
0x48: {  	v13 =	vld [tilespmem:s2+$0xC80];
	v7 =	vadd.f32 v6, v7  }
.Ltmp1:
0x49: {  	v10 =	vld [tilespmem:s2+$0xC90];
	v8 =	vadd.f32 v2, v8;
	(pc) =	sbr.rel @p0 .LBB2_4-.Ltmp1, $4  }
0x4a: {  	v6 =	vld [tilespmem:s2+$0xCA0];
	v9 =	vadd.f32 v3, v9  }
0x4b: {  	v2 =	vld [tilespmem:s2+$0xCB0];
	v5 =	vadd.f32 v11, v5  }
0x4c: {  	v3 =	vld [tilespmem:s2+$0xCC0];
	v1 =	vadd.f32 v12, v1  }
0x4d: {  	v0 =	vadd.f32 v13, v0;
	v11 =	vld [tilespmem:s2+$0xCD0];
	s2 =	sshra.s32 s3, $0x2;
	s3 =	sadd.s32 $0x200, s3  }
0x4e: {  	v12 =	vld [tilespmem:s2+$0xCE0]  }
0x4f: {  	v13 =	vld [tilespmem:s2+$0xC80]  }
0x50: {  	v4 =	vadd.f32 v10, v4;
	v59 =	vld [tilespmem:s2+$0xC90];
	v14 =	vimm.s32 $0xFEDCBA98;
	v15 =	vimm.s32 $0x76543210  }
0x51: {  	v21 =	vimm.s32 $0xBA98FEDC;
	v22 =	vimm.s32 $0x32107654;
	v26 =	vimm.s32 $0xDCFE98BA  }
0x52: {  	v27 =	vimm.s32 $0x54761032;
	v29 =	vimm.s32 $0xEFCDAB89;
	v32 =	vimm.s32 $0x67452301  }
0x53: {  	v60 =	vld [tilespmem:s2+$0xCA0];
	v6 =	vadd.f32 v6, v7;
	v14 =	vunpack.c.l.s4.s8 v14;
	v62 =	vunpack.c.l.s4.s8 v15  }
0x54: {  	v63 =	vld [tilespmem:s2+$0xCC0];
	v15 =	vunpack.c.l.s4.s8 v22;
	v10 =	vunpack.c.l.s4.s8 v26;
	v31 =	vunpack.c.l.s4.s8 v29  }
0x55: {  	v16 =	vld [tilespmem:s2+$0xCD0];
	v35 =	vunpack.c.l.s4.s8 v32;
	v2 =	vadd.f32 v2, v8;
	v3 =	vadd.f32 v3, v9  }
0x56: {  	v61 =	vld [tilespmem:s2+$0xCB0];
	v20 =	vunpack.c.0.s8.s32 v14;
	v9 =	vunpack.c.0.s8.s32 v62;
	v14 =	vunpack.c.l.s4.s8 v21  }
0x57: {  	v24 =	vunpack.c.0.s8.s32 v15;
	v10 =	vunpack.c.0.s8.s32 v10;
	v5 =	vadd.f32 v11, v5  }
0x58: {  	v11 =	vunpack.c.l.s4.s8 v27;
	v1 =	vadd.f32 v12, v1;
	v12 =	vand.u32 $0xF, v20  }
0x59: {  	v0 =	vadd.f32 v13, v0;
	v3 =	vadd.f32 v63, v3;
	v9 =	vcombine.low v12, v9  }
0x5a: {  	v4 =	vadd.f32 v59, v4;
	v23 =	vunpack.c.0.s8.s32 v14;
	v5 =	vadd.f32 v16, v5  }
0x5b: {  	v6 =	vadd.f32 v60, v6;
	v2 =	vadd.f32 v61, v2;
	v28 =	vperm.xlane v3, v9  }
0x5c: {  	v11 =	vunpack.c.0.s8.s32 v11;
	v7 =	vcombine.low v24, v23;
	v12 =	vperm.xlane v5, v9  }
0x5d: {  	v25 =	vperm.xlane v0, v9;
	v30 =	vperm.xlane v1, v9;
	v3 =	vadd.f32 v28, v3  }
0x5e: {  	v10 =	vcombine.low v11, v10;
	v7 =	vand.u32 $0xF, v7;
	v5 =	vadd.f32 v12, v5  }
0x5f: {  	v38 =	vperm.xlane v4, v9;
	v1 =	vadd.f32 v30, v1;
	v33 =	vperm.xlane v3, v7  }
0x60: {  	v11 =	vunpack.c.0.s8.s32 v31;
	v44 =	vperm.xlane v6, v9;
	v36 =	vperm.xlane v5, v7  }
0x61: {  	v9 =	vperm.xlane v2, v9;
	v37 =	vperm.xlane v1, v7;
	v3 =	vadd.f32 v33, v3  }
0x62: {  	v34 =	vand.u32 $0xF, v10;
	v10 =	vunpack.c.0.s8.s32 v35;
	v5 =	vadd.f32 v36, v5  }
0x63: {  	v0 =	vadd.f32 v25, v0;
	v1 =	vadd.f32 v37, v1;
	v40 =	vperm.xlane v3, v34  }
0x64: {  	v4 =	vadd.f32 v38, v4;
	v10 =	vcombine.low v10, v11;
	v41 =	vperm.xlane v5, v34  }
0x65: {  	v6 =	vadd.f32 v44, v6;
	v42 =	vperm.xlane v1, v34;
	v3 =	vadd.f32 v40, v3  }
0x66: {  	v39 =	vperm.xlane v0, v7;
	v10 =	vand.u32 $0xF, v10;
	v5 =	vadd.f32 v41, v5  }
0x67: {  	v43 =	vperm.xlane v4, v7;
	v1 =	vadd.f32 v42, v1;
	v45 =	vperm.xlane v3, v10  }
0x68: {  	v2 =	vadd.f32 v9, v2;
	v51 =	vperm.xlane v6, v7;
	v46 =	vperm.xlane v5, v10  }
0x69: {  	v0 =	vadd.f32 v39, v0;
	v47 =	vperm.xlane v1, v10;
	v3 =	vadd.f32 v45, v3  }
0x6a: {  	v7 =	vperm.xlane v2, v7;
	v4 =	vadd.f32 v43, v4;
	v5 =	vadd.f32 v46, v5  }
0x6b: {  	v1 =	vadd.f32 v47, v1;
	v49 =	vsub.f32 $1.638400000e+04, v3  }
0x6c: {  	v6 =	vadd.f32 v51, v6;
	v2 =	vadd.f32 v7, v2;
	v48 =	vperm.xlane v0, v34  }
0x6d: {  	v50 =	vperm.xlane v4, v34;
	v3 =	vsub.f32 v3, v1;
	v11 =	vsub.f32 v49, v5  }
0x6e: {  	v54 =	vperm.xlane v6, v34;
	v55 =	vperm.xlane v2, v34  }
0x6f: {  	v0 =	vadd.f32 v48, v0;
	(erf) = vrcp.f32 v3;
	v53 =	vadd.f32 v1, v11  }
0x70: {  	v4 =	vadd.f32 v50, v4;
	v5 =	vsub.f32 v5, v1;
	(erf) = vrcp.f32 v1  }
0x71: {  	v52 =	vperm.xlane v0, v10;
	(erf) = vrcp.f32 v53  }
0x72: {  	v56 =	vperm.xlane v4, v10;
	v3 =	vadd.f32 v54, v6;
	(erf) = vrcp.f32 v5  }
0x73: {  	v1 =	vadd.f32 v55, v2  }
0x74: {  	v0 =	vadd.f32 v52, v0;
	v57 =	vadd.f32 v56, v4;
	v58 =	vperm.xlane v3, v10  }
0x75: {  	v59 =	vperm.xlane v1, v10  }
0x76: {  	v0 =	vsub.f32 v0, v57;
	v3 =	vadd.f32 v58, v3  }
0x77: {  	v1 =	vadd.f32 v59, v1  }
0x78: {  	v0 =	vsub.f32 v0, v3;
	v60 =	vpop (erf)  }
0x79: {  	v2 =	vsub.f32 v57, v1;
	v61 =	vpop (erf)  }
0x7a: {  	v3 =	vsub.f32 v3, v1;
	v0 =	vadd.f32 v1, v0;
	v62 =	vpop (erf)  }
0x7b: {  	v2 =	vmul.f32 v60, v2;
	v1 =	vmul.f32 v61, v1;
	v63 =	vpop (erf)  }
0x7c: {  	v0 =	vmul.f32 v62, v0;
	v3 =	vmul.f32 v63, v3;
	_ =	sdelay $0x1  }
0x7d: {  	v1 =	vsub.f32 v2, v1;
	v0 =	vsub.f32 v0, v3;
	_ =	sdelay $0x1  }
0x7e: {  	v1 =	vand.u32 $0x7FFFFFFF, v1;
	v0 =	vand.u32 $0x7FFFFFFF, v0  }
0x7f: {  	v0 =	vadd.f32 v0, v1;
	_ =	sdelay $0x1  }
0x80: {  	s30 =	simm.s32 $0x0;
	s3 =	simm.s32 $0xC00;
	s31 =	simm.s32 $0x4;
	[tilespmem:$0xC00] =	vst v0  }
0x81: {  	[hbm4b:s1+s30] =	stream.linear.scatter [tilespmem:s3], [sflag:$0x4], $0x10, $0x38;
	[tilespmem:$0x1500] =	vst v63  }
0x82: {  	_ =	swait.ge [sflag:s31], $0x10  }
0x83: {  	[sflag:s31] =	ssyncset.done $0x0  }
0x84: {  	[sflag:s31] =	ssyncadd.s32 $0xFFFFFFF0  }
0x85: {  	_ =	sfence.sel $0x180000  }
0x86: {  	[bflag:$0x0] =	sbarrier.arrive $0xFFFF  }
0x87: {  	_ =	strace $0x90000047  }
0x88: {  	s0 =	sadd.s32 $0x100000, s0;
	[bflag:$0x2] =	sbarrier.arrive $0xFFFF  }
0x89: {  	[sflag:s0] =	ssyncadd.tile.s32 $0x1;
	_ =	shalt  }
.Lfunc_end2:
_tile_overlayer_lowered:
.L_overlay_start_2:
0x8a: {  	(tag) =	ssettag $0x2  }
0x8b: {  	s0 =	rddreg [dreg:$0x0];
	s2 =	stileid.u32  }
0x8c: {  	s1 =	rddreg [dreg:$0x1];
	p0 =	sne.s32 s2, $0x0  }
0x8d: {  	s3 =	rddreg [dreg:$0x2];
	[bflag:$0x3] =	sbarrier.arrive $0xFFFF;
	s2 =	simm.s32 @!p0 $0x1C04  }
0x8e: {  	[timem:s3], [sflag:s2] =	dma.local @!p0 [hbm:s0], s1  }
0x8f: {  	s0 =	simm.s32 @!p0 $0x4  }
0x90: {  	_ =	swait.ge @!p0 [sflag:s0], s1  }
0x91: {  	s1 =	ssub.s32 @!p0 $0x0, s1;
	[sflag:s0] =	ssyncset.done @!p0 $0x0  }
0x92: {  	[sflag:s0] =	ssyncadd.s32 @!p0 s1  }
0x93: {  	[bflag:$0x3] =	sbarrier.arrive $0xFFFF  }
0x94: {  	_ =	shalt  }

</sc_bundles>
